<compile_context>
chip_gen: v7x
topology: tpu7x:2x2x1
jax: 0.10.2.dev20260603
libtpu: 0.0.44.dev20260713+nightly
codegen_flags: <defaults>
</compile_context>

<pallas_src>
import jax
import jax.numpy as jnp
from jax import lax
from jax.experimental import pallas as pl
from jax.experimental.pallas import tpu as pltpu
from jax.experimental.pallas import tpu_sc as plsc

_NUM_CORES = 2
_CHUNK = 256
_NBUF = 3


def _sc_body(emb_hbm, out_hbm, *scratch):
    bufs = list(scratch[:_NBUF])
    isems = list(scratch[_NBUF : 2 * _NBUF])
    osems = list(scratch[2 * _NBUF : 3 * _NBUF])
    cid = lax.axis_index("c")
    rows = out_hbm.shape[0] // _NUM_CORES
    base = cid * rows
    nchunks = rows // _CHUNK
    in_c = [None] * _NBUF
    out_c = [None] * _NBUF
    for i in range(nchunks):
        b = i % _NBUF
        if out_c[b] is not None:
            out_c[b].wait()
        lo = base + i * _CHUNK
        in_c[b] = pltpu.async_copy(emb_hbm.at[pl.ds(lo, _CHUNK)], bufs[b], isems[b])
        if i > 0:
            pb = (i - 1) % _NBUF
            in_c[pb].wait()
            plo = base + (i - 1) * _CHUNK
            out_c[pb] = pltpu.async_copy(
                bufs[pb], out_hbm.at[pl.ds(plo, _CHUNK)], osems[pb]
            )
    lb = (nchunks - 1) % _NBUF
    in_c[lb].wait()
    llo = base + (nchunks - 1) * _CHUNK
    out_c[lb] = pltpu.async_copy(bufs[lb], out_hbm.at[pl.ds(llo, _CHUNK)], osems[lb])
    for b in range(_NBUF):
        if out_c[b] is not None:
            out_c[b].wait()


def kernel(x, emb):
    seq_len = x.shape[1]
    d = emb.shape[1]
    mesh = plsc.ScalarSubcoreMesh(axis_name="c", num_cores=_NUM_CORES)
    out = pl.kernel(
        _sc_body,
        out_type=jax.ShapeDtypeStruct((seq_len, d), emb.dtype),
        mesh=mesh,
        scratch_types=(
            [pltpu.VMEM_SHARED((_CHUNK, d), jnp.float32)] * _NBUF
            + [pltpu.SemaphoreType.DMA] * (2 * _NBUF)
        ),
    )(emb)
    return out[None]

# --- scband reference (transcript-rebuilt; emitter-appended) ---
"""Pipeline reference for scband-absolute-positional-embedding-15994458210649 (READ-ONLY COPY).

The authoritative reference and input builder live on the scoring server;
editing this copy changes nothing except your own understanding.
"""

import jax, jax.numpy as jnp
import numpy as np

MAX_SEQ_LEN = 8192
D_MODEL = 2048

def setup_inputs(seed: int = 0) -> dict:
    key = jax.random.key(seed)
    k1, k2 = jax.random.split(key)
    x = jax.random.normal(k1, (4, 8192, D_MODEL), dtype=jnp.float32)
    emb = jax.random.normal(k2, (MAX_SEQ_LEN, D_MODEL), dtype=jnp.float32) * 0.02
    return {"x": x, "emb": emb}

def reference(x, emb):
    seq_len = x.shape[1]
    positions = jnp.arange(0, seq_len)[None, :]  # [1, seq_len]
    out = jnp.take(emb, positions, axis=0)  # [1, seq_len, d_model]
    return out

if __name__ == "__main__":
    import jax
    _d = setup_inputs()
    print(jax.jit(kernel)(*tuple(_d.values())))

</pallas_src>

<mosaic_0001>
#map = affine_map<(d0) -> (0, 0)>
module attributes {stable_mosaic.version = 14 : i64} {
  func.func @_sc_body(%arg0: i32, %arg1: memref<8192x2048xf32, #tpu.memory_space<hbm>>, %arg2: memref<8192x2048xf32, #tpu.memory_space<hbm>>, %arg3: memref<256x2048xf32, #tpu.memory_space<vmem_shared>>, %arg4: memref<256x2048xf32, #tpu.memory_space<vmem_shared>>, %arg5: memref<256x2048xf32, #tpu.memory_space<vmem_shared>>, %arg6: memref<!tpu.dma_semaphore, #tpu.memory_space<semaphore_mem>>, %arg7: memref<!tpu.dma_semaphore, #tpu.memory_space<semaphore_mem>>, %arg8: memref<!tpu.dma_semaphore, #tpu.memory_space<semaphore_mem>>, %arg9: memref<!tpu.dma_semaphore, #tpu.memory_space<semaphore_mem>>, %arg10: memref<!tpu.dma_semaphore, #tpu.memory_space<semaphore_mem>>, %arg11: memref<!tpu.dma_semaphore, #tpu.memory_space<semaphore_mem>>) attributes {dimension_semantics = [#tpu.dimension_semantics<core_parallel>], iteration_bounds = array<i64: 2>, scalar_prefetch = 0 : i64, scratch_operands = 9 : i64, tpu.core_type = #tpu.core_type<sc_scalar_subcore>, window_params = [{transform_indices = #map}, {transform_indices = #map}]} {
    %mul3A = arith.constant 4096 : i32
    %mul3A_0 = arith.muli %arg0, %mul3A : i32
    %add3A = arith.constant 0 : i32
    %add3A_1 = arith.addi %mul3A_0, %add3A : i32
    %dma_start3A = arith.constant 0 : i32
    %dma_start3A_2 = tpu.memref_slice %arg1[%add3A_1, %dma_start3A] : memref<8192x2048xf32, #tpu.memory_space<hbm>> -> memref<256x2048xf32, #tpu.memory_space<hbm>>
    tpu.enqueue_dma source(%dma_start3A_2 : memref<256x2048xf32, #tpu.memory_space<hbm>>) target(%arg3 : memref<256x2048xf32, #tpu.memory_space<vmem_shared>>) target_semaphore(%arg6 : memref<!tpu.dma_semaphore, #tpu.memory_space<semaphore_mem>>)
    %add3A_3 = arith.constant 256 : i32
    %add3A_4 = arith.addi %mul3A_0, %add3A_3 : i32
    %dma_start3A_5 = arith.constant 0 : i32
    %dma_start3A_6 = tpu.memref_slice %arg1[%add3A_4, %dma_start3A_5] : memref<8192x2048xf32, #tpu.memory_space<hbm>> -> memref<256x2048xf32, #tpu.memory_space<hbm>>
    tpu.enqueue_dma source(%dma_start3A_6 : memref<256x2048xf32, #tpu.memory_space<hbm>>) target(%arg4 : memref<256x2048xf32, #tpu.memory_space<vmem_shared>>) target_semaphore(%arg7 : memref<!tpu.dma_semaphore, #tpu.memory_space<semaphore_mem>>)
    %dma_wait3A = arith.constant 0 : i32
    %dma_wait3A_7 = tpu.memref_slice %arg1[%add3A_1, %dma_wait3A] : memref<8192x2048xf32, #tpu.memory_space<hbm>> -> memref<256x2048xf32, #tpu.memory_space<hbm>>
    tpu.wait_dma2 semaphore(%arg6 : memref<!tpu.dma_semaphore, #tpu.memory_space<semaphore_mem>>) src(%dma_wait3A_7 : memref<256x2048xf32, #tpu.memory_space<hbm>>) dst(%arg3 : memref<256x2048xf32, #tpu.memory_space<vmem_shared>>)
    %add3A_8 = arith.constant 0 : i32
    %add3A_9 = arith.addi %mul3A_0, %add3A_8 : i32
    %dma_start3A_10 = arith.constant 0 : i32
    %dma_start3A_11 = tpu.memref_slice %arg2[%add3A_9, %dma_start3A_10] : memref<8192x2048xf32, #tpu.memory_space<hbm>> -> memref<256x2048xf32, #tpu.memory_space<hbm>>
    tpu.enqueue_dma source(%arg3 : memref<256x2048xf32, #tpu.memory_space<vmem_shared>>) target(%dma_start3A_11 : memref<256x2048xf32, #tpu.memory_space<hbm>>) target_semaphore(%arg9 : memref<!tpu.dma_semaphore, #tpu.memory_space<semaphore_mem>>)
    %add3A_12 = arith.constant 512 : i32
    %add3A_13 = arith.addi %mul3A_0, %add3A_12 : i32
    %dma_start3A_14 = arith.constant 0 : i32
    %dma_start3A_15 = tpu.memref_slice %arg1[%add3A_13, %dma_start3A_14] : memref<8192x2048xf32, #tpu.memory_space<hbm>> -> memref<256x2048xf32, #tpu.memory_space<hbm>>
    tpu.enqueue_dma source(%dma_start3A_15 : memref<256x2048xf32, #tpu.memory_space<hbm>>) target(%arg5 : memref<256x2048xf32, #tpu.memory_space<vmem_shared>>) target_semaphore(%arg8 : memref<!tpu.dma_semaphore, #tpu.memory_space<semaphore_mem>>)
    %dma_wait3A_16 = arith.constant 0 : i32
    %dma_wait3A_17 = tpu.memref_slice %arg1[%add3A_4, %dma_wait3A_16] : memref<8192x2048xf32, #tpu.memory_space<hbm>> -> memref<256x2048xf32, #tpu.memory_space<hbm>>
    tpu.wait_dma2 semaphore(%arg7 : memref<!tpu.dma_semaphore, #tpu.memory_space<semaphore_mem>>) src(%dma_wait3A_17 : memref<256x2048xf32, #tpu.memory_space<hbm>>) dst(%arg4 : memref<256x2048xf32, #tpu.memory_space<vmem_shared>>)
    %add3A_18 = arith.constant 256 : i32
    %add3A_19 = arith.addi %mul3A_0, %add3A_18 : i32
    %dma_start3A_20 = arith.constant 0 : i32
    %dma_start3A_21 = tpu.memref_slice %arg2[%add3A_19, %dma_start3A_20] : memref<8192x2048xf32, #tpu.memory_space<hbm>> -> memref<256x2048xf32, #tpu.memory_space<hbm>>
    tpu.enqueue_dma source(%arg4 : memref<256x2048xf32, #tpu.memory_space<vmem_shared>>) target(%dma_start3A_21 : memref<256x2048xf32, #tpu.memory_space<hbm>>) target_semaphore(%arg10 : memref<!tpu.dma_semaphore, #tpu.memory_space<semaphore_mem>>)
    %dma_wait3A_22 = arith.constant 0 : i32
    %dma_wait3A_23 = tpu.memref_slice %arg2[%add3A_9, %dma_wait3A_22] : memref<8192x2048xf32, #tpu.memory_space<hbm>> -> memref<256x2048xf32, #tpu.memory_space<hbm>>
    tpu.wait_dma2 semaphore(%arg9 : memref<!tpu.dma_semaphore, #tpu.memory_space<semaphore_mem>>) src(%arg3 : memref<256x2048xf32, #tpu.memory_space<vmem_shared>>) dst(%dma_wait3A_23 : memref<256x2048xf32, #tpu.memory_space<hbm>>)
    %add3A_24 = arith.constant 768 : i32
    %add3A_25 = arith.addi %mul3A_0, %add3A_24 : i32
    %dma_start3A_26 = arith.constant 0 : i32
    %dma_start3A_27 = tpu.memref_slice %arg1[%add3A_25, %dma_start3A_26] : memref<8192x2048xf32, #tpu.memory_space<hbm>> -> memref<256x2048xf32, #tpu.memory_space<hbm>>
    tpu.enqueue_dma source(%dma_start3A_27 : memref<256x2048xf32, #tpu.memory_space<hbm>>) target(%arg3 : memref<256x2048xf32, #tpu.memory_space<vmem_shared>>) target_semaphore(%arg6 : memref<!tpu.dma_semaphore, #tpu.memory_space<semaphore_mem>>)
    %dma_wait3A_28 = arith.constant 0 : i32
    %dma_wait3A_29 = tpu.memref_slice %arg1[%add3A_13, %dma_wait3A_28] : memref<8192x2048xf32, #tpu.memory_space<hbm>> -> memref<256x2048xf32, #tpu.memory_space<hbm>>
    tpu.wait_dma2 semaphore(%arg8 : memref<!tpu.dma_semaphore, #tpu.memory_space<semaphore_mem>>) src(%dma_wait3A_29 : memref<256x2048xf32, #tpu.memory_space<hbm>>) dst(%arg5 : memref<256x2048xf32, #tpu.memory_space<vmem_shared>>)
    %add3A_30 = arith.constant 512 : i32
    %add3A_31 = arith.addi %mul3A_0, %add3A_30 : i32
    %dma_start3A_32 = arith.constant 0 : i32
    %dma_start3A_33 = tpu.memref_slice %arg2[%add3A_31, %dma_start3A_32] : memref<8192x2048xf32, #tpu.memory_space<hbm>> -> memref<256x2048xf32, #tpu.memory_space<hbm>>
    tpu.enqueue_dma source(%arg5 : memref<256x2048xf32, #tpu.memory_space<vmem_shared>>) target(%dma_start3A_33 : memref<256x2048xf32, #tpu.memory_space<hbm>>) target_semaphore(%arg11 : memref<!tpu.dma_semaphore, #tpu.memory_space<semaphore_mem>>)
    %dma_wait3A_34 = arith.constant 0 : i32
    %dma_wait3A_35 = tpu.memref_slice %arg2[%add3A_19, %dma_wait3A_34] : memref<8192x2048xf32, #tpu.memory_space<hbm>> -> memref<256x2048xf32, #tpu.memory_space<hbm>>
    tpu.wait_dma2 semaphore(%arg10 : memref<!tpu.dma_semaphore, #tpu.memory_space<semaphore_mem>>) src(%arg4 : memref<256x2048xf32, #tpu.memory_space<vmem_shared>>) dst(%dma_wait3A_35 : memref<256x2048xf32, #tpu.memory_space<hbm>>)
    %add3A_36 = arith.constant 1024 : i32
    %add3A_37 = arith.addi %mul3A_0, %add3A_36 : i32
    %dma_start3A_38 = arith.constant 0 : i32
    %dma_start3A_39 = tpu.memref_slice %arg1[%add3A_37, %dma_start3A_38] : memref<8192x2048xf32, #tpu.memory_space<hbm>> -> memref<256x2048xf32, #tpu.memory_space<hbm>>
    tpu.enqueue_dma source(%dma_start3A_39 : memref<256x2048xf32, #tpu.memory_space<hbm>>) target(%arg4 : memref<256x2048xf32, #tpu.memory_space<vmem_shared>>) target_semaphore(%arg7 : memref<!tpu.dma_semaphore, #tpu.memory_space<semaphore_mem>>)
    %dma_wait3A_40 = arith.constant 0 : i32
    %dma_wait3A_41 = tpu.memref_slice %arg1[%add3A_25, %dma_wait3A_40] : memref<8192x2048xf32, #tpu.memory_space<hbm>> -> memref<256x2048xf32, #tpu.memory_space<hbm>>
    tpu.wait_dma2 semaphore(%arg6 : memref<!tpu.dma_semaphore, #tpu.memory_space<semaphore_mem>>) src(%dma_wait3A_41 : memref<256x2048xf32, #tpu.memory_space<hbm>>) dst(%arg3 : memref<256x2048xf32, #tpu.memory_space<vmem_shared>>)
    %add3A_42 = arith.constant 768 : i32
    %add3A_43 = arith.addi %mul3A_0, %add3A_42 : i32
    %dma_start3A_44 = arith.constant 0 : i32
    %dma_start3A_45 = tpu.memref_slice %arg2[%add3A_43, %dma_start3A_44] : memref<8192x2048xf32, #tpu.memory_space<hbm>> -> memref<256x2048xf32, #tpu.memory_space<hbm>>
    tpu.enqueue_dma source(%arg3 : memref<256x2048xf32, #tpu.memory_space<vmem_shared>>) target(%dma_start3A_45 : memref<256x2048xf32, #tpu.memory_space<hbm>>) target_semaphore(%arg9 : memref<!tpu.dma_semaphore, #tpu.memory_space<semaphore_mem>>)
    %dma_wait3A_46 = arith.constant 0 : i32
    %dma_wait3A_47 = tpu.memref_slice %arg2[%add3A_31, %dma_wait3A_46] : memref<8192x2048xf32, #tpu.memory_space<hbm>> -> memref<256x2048xf32, #tpu.memory_space<hbm>>
    tpu.wait_dma2 semaphore(%arg11 : memref<!tpu.dma_semaphore, #tpu.memory_space<semaphore_mem>>) src(%arg5 : memref<256x2048xf32, #tpu.memory_space<vmem_shared>>) dst(%dma_wait3A_47 : memref<256x2048xf32, #tpu.memory_space<hbm>>)
    %add3A_48 = arith.constant 1280 : i32
    %add3A_49 = arith.addi %mul3A_0, %add3A_48 : i32
    %dma_start3A_50 = arith.constant 0 : i32
    %dma_start3A_51 = tpu.memref_slice %arg1[%add3A_49, %dma_start3A_50] : memref<8192x2048xf32, #tpu.memory_space<hbm>> -> memref<256x2048xf32, #tpu.memory_space<hbm>>
    tpu.enqueue_dma source(%dma_start3A_51 : memref<256x2048xf32, #tpu.memory_space<hbm>>) target(%arg5 : memref<256x2048xf32, #tpu.memory_space<vmem_shared>>) target_semaphore(%arg8 : memref<!tpu.dma_semaphore, #tpu.memory_space<semaphore_mem>>)
    %dma_wait3A_52 = arith.constant 0 : i32
    %dma_wait3A_53 = tpu.memref_slice %arg1[%add3A_37, %dma_wait3A_52] : memref<8192x2048xf32, #tpu.memory_space<hbm>> -> memref<256x2048xf32, #tpu.memory_space<hbm>>
    tpu.wait_dma2 semaphore(%arg7 : memref<!tpu.dma_semaphore, #tpu.memory_space<semaphore_mem>>) src(%dma_wait3A_53 : memref<256x2048xf32, #tpu.memory_space<hbm>>) dst(%arg4 : memref<256x2048xf32, #tpu.memory_space<vmem_shared>>)
    %add3A_54 = arith.constant 1024 : i32
    %add3A_55 = arith.addi %mul3A_0, %add3A_54 : i32
    %dma_start3A_56 = arith.constant 0 : i32
    %dma_start3A_57 = tpu.memref_slice %arg2[%add3A_55, %dma_start3A_56] : memref<8192x2048xf32, #tpu.memory_space<hbm>> -> memref<256x2048xf32, #tpu.memory_space<hbm>>
    tpu.enqueue_dma source(%arg4 : memref<256x2048xf32, #tpu.memory_space<vmem_shared>>) target(%dma_start3A_57 : memref<256x2048xf32, #tpu.memory_space<hbm>>) target_semaphore(%arg10 : memref<!tpu.dma_semaphore, #tpu.memory_space<semaphore_mem>>)
    %dma_wait3A_58 = arith.constant 0 : i32
    %dma_wait3A_59 = tpu.memref_slice %arg2[%add3A_43, %dma_wait3A_58] : memref<8192x2048xf32, #tpu.memory_space<hbm>> -> memref<256x2048xf32, #tpu.memory_space<hbm>>
    tpu.wait_dma2 semaphore(%arg9 : memref<!tpu.dma_semaphore, #tpu.memory_space<semaphore_mem>>) src(%arg3 : memref<256x2048xf32, #tpu.memory_space<vmem_shared>>) dst(%dma_wait3A_59 : memref<256x2048xf32, #tpu.memory_space<hbm>>)
    %add3A_60 = arith.constant 1536 : i32
    %add3A_61 = arith.addi %mul3A_0, %add3A_60 : i32
    %dma_start3A_62 = arith.constant 0 : i32
    %dma_start3A_63 = tpu.memref_slice %arg1[%add3A_61, %dma_start3A_62] : memref<8192x2048xf32, #tpu.memory_space<hbm>> -> memref<256x2048xf32, #tpu.memory_space<hbm>>
    tpu.enqueue_dma source(%dma_start3A_63 : memref<256x2048xf32, #tpu.memory_space<hbm>>) target(%arg3 : memref<256x2048xf32, #tpu.memory_space<vmem_shared>>) target_semaphore(%arg6 : memref<!tpu.dma_semaphore, #tpu.memory_space<semaphore_mem>>)
    %dma_wait3A_64 = arith.constant 0 : i32
    %dma_wait3A_65 = tpu.memref_slice %arg1[%add3A_49, %dma_wait3A_64] : memref<8192x2048xf32, #tpu.memory_space<hbm>> -> memref<256x2048xf32, #tpu.memory_space<hbm>>
    tpu.wait_dma2 semaphore(%arg8 : memref<!tpu.dma_semaphore, #tpu.memory_space<semaphore_mem>>) src(%dma_wait3A_65 : memref<256x2048xf32, #tpu.memory_space<hbm>>) dst(%arg5 : memref<256x2048xf32, #tpu.memory_space<vmem_shared>>)
    %add3A_66 = arith.constant 1280 : i32
    %add3A_67 = arith.addi %mul3A_0, %add3A_66 : i32
    %dma_start3A_68 = arith.constant 0 : i32
    %dma_start3A_69 = tpu.memref_slice %arg2[%add3A_67, %dma_start3A_68] : memref<8192x2048xf32, #tpu.memory_space<hbm>> -> memref<256x2048xf32, #tpu.memory_space<hbm>>
    tpu.enqueue_dma source(%arg5 : memref<256x2048xf32, #tpu.memory_space<vmem_shared>>) target(%dma_start3A_69 : memref<256x2048xf32, #tpu.memory_space<hbm>>) target_semaphore(%arg11 : memref<!tpu.dma_semaphore, #tpu.memory_space<semaphore_mem>>)
    %dma_wait3A_70 = arith.constant 0 : i32
    %dma_wait3A_71 = tpu.memref_slice %arg2[%add3A_55, %dma_wait3A_70] : memref<8192x2048xf32, #tpu.memory_space<hbm>> -> memref<256x2048xf32, #tpu.memory_space<hbm>>
    tpu.wait_dma2 semaphore(%arg10 : memref<!tpu.dma_semaphore, #tpu.memory_space<semaphore_mem>>) src(%arg4 : memref<256x2048xf32, #tpu.memory_space<vmem_shared>>) dst(%dma_wait3A_71 : memref<256x2048xf32, #tpu.memory_space<hbm>>)
    %add3A_72 = arith.constant 1792 : i32
    %add3A_73 = arith.addi %mul3A_0, %add3A_72 : i32
    %dma_start3A_74 = arith.constant 0 : i32
    %dma_start3A_75 = tpu.memref_slice %arg1[%add3A_73, %dma_start3A_74] : memref<8192x2048xf32, #tpu.memory_space<hbm>> -> memref<256x2048xf32, #tpu.memory_space<hbm>>
    tpu.enqueue_dma source(%dma_start3A_75 : memref<256x2048xf32, #tpu.memory_space<hbm>>) target(%arg4 : memref<256x2048xf32, #tpu.memory_space<vmem_shared>>) target_semaphore(%arg7 : memref<!tpu.dma_semaphore, #tpu.memory_space<semaphore_mem>>)
    %dma_wait3A_76 = arith.constant 0 : i32
    %dma_wait3A_77 = tpu.memref_slice %arg1[%add3A_61, %dma_wait3A_76] : memref<8192x2048xf32, #tpu.memory_space<hbm>> -> memref<256x2048xf32, #tpu.memory_space<hbm>>
    tpu.wait_dma2 semaphore(%arg6 : memref<!tpu.dma_semaphore, #tpu.memory_space<semaphore_mem>>) src(%dma_wait3A_77 : memref<256x2048xf32, #tpu.memory_space<hbm>>) dst(%arg3 : memref<256x2048xf32, #tpu.memory_space<vmem_shared>>)
    %add3A_78 = arith.constant 1536 : i32
    %add3A_79 = arith.addi %mul3A_0, %add3A_78 : i32
    %dma_start3A_80 = arith.constant 0 : i32
    %dma_start3A_81 = tpu.memref_slice %arg2[%add3A_79, %dma_start3A_80] : memref<8192x2048xf32, #tpu.memory_space<hbm>> -> memref<256x2048xf32, #tpu.memory_space<hbm>>
    tpu.enqueue_dma source(%arg3 : memref<256x2048xf32, #tpu.memory_space<vmem_shared>>) target(%dma_start3A_81 : memref<256x2048xf32, #tpu.memory_space<hbm>>) target_semaphore(%arg9 : memref<!tpu.dma_semaphore, #tpu.memory_space<semaphore_mem>>)
    %dma_wait3A_82 = arith.constant 0 : i32
    %dma_wait3A_83 = tpu.memref_slice %arg2[%add3A_67, %dma_wait3A_82] : memref<8192x2048xf32, #tpu.memory_space<hbm>> -> memref<256x2048xf32, #tpu.memory_space<hbm>>
    tpu.wait_dma2 semaphore(%arg11 : memref<!tpu.dma_semaphore, #tpu.memory_space<semaphore_mem>>) src(%arg5 : memref<256x2048xf32, #tpu.memory_space<vmem_shared>>) dst(%dma_wait3A_83 : memref<256x2048xf32, #tpu.memory_space<hbm>>)
    %add3A_84 = arith.constant 2048 : i32
    %add3A_85 = arith.addi %mul3A_0, %add3A_84 : i32
    %dma_start3A_86 = arith.constant 0 : i32
    %dma_start3A_87 = tpu.memref_slice %arg1[%add3A_85, %dma_start3A_86] : memref<8192x2048xf32, #tpu.memory_space<hbm>> -> memref<256x2048xf32, #tpu.memory_space<hbm>>
    tpu.enqueue_dma source(%dma_start3A_87 : memref<256x2048xf32, #tpu.memory_space<hbm>>) target(%arg5 : memref<256x2048xf32, #tpu.memory_space<vmem_shared>>) target_semaphore(%arg8 : memref<!tpu.dma_semaphore, #tpu.memory_space<semaphore_mem>>)
    %dma_wait3A_88 = arith.constant 0 : i32
    %dma_wait3A_89 = tpu.memref_slice %arg1[%add3A_73, %dma_wait3A_88] : memref<8192x2048xf32, #tpu.memory_space<hbm>> -> memref<256x2048xf32, #tpu.memory_space<hbm>>
    tpu.wait_dma2 semaphore(%arg7 : memref<!tpu.dma_semaphore, #tpu.memory_space<semaphore_mem>>) src(%dma_wait3A_89 : memref<256x2048xf32, #tpu.memory_space<hbm>>) dst(%arg4 : memref<256x2048xf32, #tpu.memory_space<vmem_shared>>)
    %add3A_90 = arith.constant 1792 : i32
    %add3A_91 = arith.addi %mul3A_0, %add3A_90 : i32
    %dma_start3A_92 = arith.constant 0 : i32
    %dma_start3A_93 = tpu.memref_slice %arg2[%add3A_91, %dma_start3A_92] : memref<8192x2048xf32, #tpu.memory_space<hbm>> -> memref<256x2048xf32, #tpu.memory_space<hbm>>
    tpu.enqueue_dma source(%arg4 : memref<256x2048xf32, #tpu.memory_space<vmem_shared>>) target(%dma_start3A_93 : memref<256x2048xf32, #tpu.memory_space<hbm>>) target_semaphore(%arg10 : memref<!tpu.dma_semaphore, #tpu.memory_space<semaphore_mem>>)
    %dma_wait3A_94 = arith.constant 0 : i32
    %dma_wait3A_95 = tpu.memref_slice %arg2[%add3A_79, %dma_wait3A_94] : memref<8192x2048xf32, #tpu.memory_space<hbm>> -> memref<256x2048xf32, #tpu.memory_space<hbm>>
    tpu.wait_dma2 semaphore(%arg9 : memref<!tpu.dma_semaphore, #tpu.memory_space<semaphore_mem>>) src(%arg3 : memref<256x2048xf32, #tpu.memory_space<vmem_shared>>) dst(%dma_wait3A_95 : memref<256x2048xf32, #tpu.memory_space<hbm>>)
    %add3A_96 = arith.constant 2304 : i32
    %add3A_97 = arith.addi %mul3A_0, %add3A_96 : i32
    %dma_start3A_98 = arith.constant 0 : i32
    %dma_start3A_99 = tpu.memref_slice %arg1[%add3A_97, %dma_start3A_98] : memref<8192x2048xf32, #tpu.memory_space<hbm>> -> memref<256x2048xf32, #tpu.memory_space<hbm>>
    tpu.enqueue_dma source(%dma_start3A_99 : memref<256x2048xf32, #tpu.memory_space<hbm>>) target(%arg3 : memref<256x2048xf32, #tpu.memory_space<vmem_shared>>) target_semaphore(%arg6 : memref<!tpu.dma_semaphore, #tpu.memory_space<semaphore_mem>>)
    %dma_wait3A_100 = arith.constant 0 : i32
    %dma_wait3A_101 = tpu.memref_slice %arg1[%add3A_85, %dma_wait3A_100] : memref<8192x2048xf32, #tpu.memory_space<hbm>> -> memref<256x2048xf32, #tpu.memory_space<hbm>>
    tpu.wait_dma2 semaphore(%arg8 : memref<!tpu.dma_semaphore, #tpu.memory_space<semaphore_mem>>) src(%dma_wait3A_101 : memref<256x2048xf32, #tpu.memory_space<hbm>>) dst(%arg5 : memref<256x2048xf32, #tpu.memory_space<vmem_shared>>)
    %add3A_102 = arith.constant 2048 : i32
    %add3A_103 = arith.addi %mul3A_0, %add3A_102 : i32
    %dma_start3A_104 = arith.constant 0 : i32
    %dma_start3A_105 = tpu.memref_slice %arg2[%add3A_103, %dma_start3A_104] : memref<8192x2048xf32, #tpu.memory_space<hbm>> -> memref<256x2048xf32, #tpu.memory_space<hbm>>
    tpu.enqueue_dma source(%arg5 : memref<256x2048xf32, #tpu.memory_space<vmem_shared>>) target(%dma_start3A_105 : memref<256x2048xf32, #tpu.memory_space<hbm>>) target_semaphore(%arg11 : memref<!tpu.dma_semaphore, #tpu.memory_space<semaphore_mem>>)
    %dma_wait3A_106 = arith.constant 0 : i32
    %dma_wait3A_107 = tpu.memref_slice %arg2[%add3A_91, %dma_wait3A_106] : memref<8192x2048xf32, #tpu.memory_space<hbm>> -> memref<256x2048xf32, #tpu.memory_space<hbm>>
    tpu.wait_dma2 semaphore(%arg10 : memref<!tpu.dma_semaphore, #tpu.memory_space<semaphore_mem>>) src(%arg4 : memref<256x2048xf32, #tpu.memory_space<vmem_shared>>) dst(%dma_wait3A_107 : memref<256x2048xf32, #tpu.memory_space<hbm>>)
    %add3A_108 = arith.constant 2560 : i32
    %add3A_109 = arith.addi %mul3A_0, %add3A_108 : i32
    %dma_start3A_110 = arith.constant 0 : i32
    %dma_start3A_111 = tpu.memref_slice %arg1[%add3A_109, %dma_start3A_110] : memref<8192x2048xf32, #tpu.memory_space<hbm>> -> memref<256x2048xf32, #tpu.memory_space<hbm>>
    tpu.enqueue_dma source(%dma_start3A_111 : memref<256x2048xf32, #tpu.memory_space<hbm>>) target(%arg4 : memref<256x2048xf32, #tpu.memory_space<vmem_shared>>) target_semaphore(%arg7 : memref<!tpu.dma_semaphore, #tpu.memory_space<semaphore_mem>>)
    %dma_wait3A_112 = arith.constant 0 : i32
    %dma_wait3A_113 = tpu.memref_slice %arg1[%add3A_97, %dma_wait3A_112] : memref<8192x2048xf32, #tpu.memory_space<hbm>> -> memref<256x2048xf32, #tpu.memory_space<hbm>>
    tpu.wait_dma2 semaphore(%arg6 : memref<!tpu.dma_semaphore, #tpu.memory_space<semaphore_mem>>) src(%dma_wait3A_113 : memref<256x2048xf32, #tpu.memory_space<hbm>>) dst(%arg3 : memref<256x2048xf32, #tpu.memory_space<vmem_shared>>)
    %add3A_114 = arith.constant 2304 : i32
    %add3A_115 = arith.addi %mul3A_0, %add3A_114 : i32
    %dma_start3A_116 = arith.constant 0 : i32
    %dma_start3A_117 = tpu.memref_slice %arg2[%add3A_115, %dma_start3A_116] : memref<8192x2048xf32, #tpu.memory_space<hbm>> -> memref<256x2048xf32, #tpu.memory_space<hbm>>
    tpu.enqueue_dma source(%arg3 : memref<256x2048xf32, #tpu.memory_space<vmem_shared>>) target(%dma_start3A_117 : memref<256x2048xf32, #tpu.memory_space<hbm>>) target_semaphore(%arg9 : memref<!tpu.dma_semaphore, #tpu.memory_space<semaphore_mem>>)
    %dma_wait3A_118 = arith.constant 0 : i32
    %dma_wait3A_119 = tpu.memref_slice %arg2[%add3A_103, %dma_wait3A_118] : memref<8192x2048xf32, #tpu.memory_space<hbm>> -> memref<256x2048xf32, #tpu.memory_space<hbm>>
    tpu.wait_dma2 semaphore(%arg11 : memref<!tpu.dma_semaphore, #tpu.memory_space<semaphore_mem>>) src(%arg5 : memref<256x2048xf32, #tpu.memory_space<vmem_shared>>) dst(%dma_wait3A_119 : memref<256x2048xf32, #tpu.memory_space<hbm>>)
    %add3A_120 = arith.constant 2816 : i32
    %add3A_121 = arith.addi %mul3A_0, %add3A_120 : i32
    %dma_start3A_122 = arith.constant 0 : i32
    %dma_start3A_123 = tpu.memref_slice %arg1[%add3A_121, %dma_start3A_122] : memref<8192x2048xf32, #tpu.memory_space<hbm>> -> memref<256x2048xf32, #tpu.memory_space<hbm>>
    tpu.enqueue_dma source(%dma_start3A_123 : memref<256x2048xf32, #tpu.memory_space<hbm>>) target(%arg5 : memref<256x2048xf32, #tpu.memory_space<vmem_shared>>) target_semaphore(%arg8 : memref<!tpu.dma_semaphore, #tpu.memory_space<semaphore_mem>>)
    %dma_wait3A_124 = arith.constant 0 : i32
    %dma_wait3A_125 = tpu.memref_slice %arg1[%add3A_109, %dma_wait3A_124] : memref<8192x2048xf32, #tpu.memory_space<hbm>> -> memref<256x2048xf32, #tpu.memory_space<hbm>>
    tpu.wait_dma2 semaphore(%arg7 : memref<!tpu.dma_semaphore, #tpu.memory_space<semaphore_mem>>) src(%dma_wait3A_125 : memref<256x2048xf32, #tpu.memory_space<hbm>>) dst(%arg4 : memref<256x2048xf32, #tpu.memory_space<vmem_shared>>)
    %add3A_126 = arith.constant 2560 : i32
    %add3A_127 = arith.addi %mul3A_0, %add3A_126 : i32
    %dma_start3A_128 = arith.constant 0 : i32
    %dma_start3A_129 = tpu.memref_slice %arg2[%add3A_127, %dma_start3A_128] : memref<8192x2048xf32, #tpu.memory_space<hbm>> -> memref<256x2048xf32, #tpu.memory_space<hbm>>
    tpu.enqueue_dma source(%arg4 : memref<256x2048xf32, #tpu.memory_space<vmem_shared>>) target(%dma_start3A_129 : memref<256x2048xf32, #tpu.memory_space<hbm>>) target_semaphore(%arg10 : memref<!tpu.dma_semaphore, #tpu.memory_space<semaphore_mem>>)
    %dma_wait3A_130 = arith.constant 0 : i32
    %dma_wait3A_131 = tpu.memref_slice %arg2[%add3A_115, %dma_wait3A_130] : memref<8192x2048xf32, #tpu.memory_space<hbm>> -> memref<256x2048xf32, #tpu.memory_space<hbm>>
    tpu.wait_dma2 semaphore(%arg9 : memref<!tpu.dma_semaphore, #tpu.memory_space<semaphore_mem>>) src(%arg3 : memref<256x2048xf32, #tpu.memory_space<vmem_shared>>) dst(%dma_wait3A_131 : memref<256x2048xf32, #tpu.memory_space<hbm>>)
    %add3A_132 = arith.constant 3072 : i32
    %add3A_133 = arith.addi %mul3A_0, %add3A_132 : i32
    %dma_start3A_134 = arith.constant 0 : i32
    %dma_start3A_135 = tpu.memref_slice %arg1[%add3A_133, %dma_start3A_134] : memref<8192x2048xf32, #tpu.memory_space<hbm>> -> memref<256x2048xf32, #tpu.memory_space<hbm>>
    tpu.enqueue_dma source(%dma_start3A_135 : memref<256x2048xf32, #tpu.memory_space<hbm>>) target(%arg3 : memref<256x2048xf32, #tpu.memory_space<vmem_shared>>) target_semaphore(%arg6 : memref<!tpu.dma_semaphore, #tpu.memory_space<semaphore_mem>>)
    %dma_wait3A_136 = arith.constant 0 : i32
    %dma_wait3A_137 = tpu.memref_slice %arg1[%add3A_121, %dma_wait3A_136] : memref<8192x2048xf32, #tpu.memory_space<hbm>> -> memref<256x2048xf32, #tpu.memory_space<hbm>>
    tpu.wait_dma2 semaphore(%arg8 : memref<!tpu.dma_semaphore, #tpu.memory_space<semaphore_mem>>) src(%dma_wait3A_137 : memref<256x2048xf32, #tpu.memory_space<hbm>>) dst(%arg5 : memref<256x2048xf32, #tpu.memory_space<vmem_shared>>)
    %add3A_138 = arith.constant 2816 : i32
    %add3A_139 = arith.addi %mul3A_0, %add3A_138 : i32
    %dma_start3A_140 = arith.constant 0 : i32
    %dma_start3A_141 = tpu.memref_slice %arg2[%add3A_139, %dma_start3A_140] : memref<8192x2048xf32, #tpu.memory_space<hbm>> -> memref<256x2048xf32, #tpu.memory_space<hbm>>
    tpu.enqueue_dma source(%arg5 : memref<256x2048xf32, #tpu.memory_space<vmem_shared>>) target(%dma_start3A_141 : memref<256x2048xf32, #tpu.memory_space<hbm>>) target_semaphore(%arg11 : memref<!tpu.dma_semaphore, #tpu.memory_space<semaphore_mem>>)
    %dma_wait3A_142 = arith.constant 0 : i32
    %dma_wait3A_143 = tpu.memref_slice %arg2[%add3A_127, %dma_wait3A_142] : memref<8192x2048xf32, #tpu.memory_space<hbm>> -> memref<256x2048xf32, #tpu.memory_space<hbm>>
    tpu.wait_dma2 semaphore(%arg10 : memref<!tpu.dma_semaphore, #tpu.memory_space<semaphore_mem>>) src(%arg4 : memref<256x2048xf32, #tpu.memory_space<vmem_shared>>) dst(%dma_wait3A_143 : memref<256x2048xf32, #tpu.memory_space<hbm>>)
    %add3A_144 = arith.constant 3328 : i32
    %add3A_145 = arith.addi %mul3A_0, %add3A_144 : i32
    %dma_start3A_146 = arith.constant 0 : i32
    %dma_start3A_147 = tpu.memref_slice %arg1[%add3A_145, %dma_start3A_146] : memref<8192x2048xf32, #tpu.memory_space<hbm>> -> memref<256x2048xf32, #tpu.memory_space<hbm>>
    tpu.enqueue_dma source(%dma_start3A_147 : memref<256x2048xf32, #tpu.memory_space<hbm>>) target(%arg4 : memref<256x2048xf32, #tpu.memory_space<vmem_shared>>) target_semaphore(%arg7 : memref<!tpu.dma_semaphore, #tpu.memory_space<semaphore_mem>>)
    %dma_wait3A_148 = arith.constant 0 : i32
    %dma_wait3A_149 = tpu.memref_slice %arg1[%add3A_133, %dma_wait3A_148] : memref<8192x2048xf32, #tpu.memory_space<hbm>> -> memref<256x2048xf32, #tpu.memory_space<hbm>>
    tpu.wait_dma2 semaphore(%arg6 : memref<!tpu.dma_semaphore, #tpu.memory_space<semaphore_mem>>) src(%dma_wait3A_149 : memref<256x2048xf32, #tpu.memory_space<hbm>>) dst(%arg3 : memref<256x2048xf32, #tpu.memory_space<vmem_shared>>)
    %add3A_150 = arith.constant 3072 : i32
    %add3A_151 = arith.addi %mul3A_0, %add3A_150 : i32
    %dma_start3A_152 = arith.constant 0 : i32
    %dma_start3A_153 = tpu.memref_slice %arg2[%add3A_151, %dma_start3A_152] : memref<8192x2048xf32, #tpu.memory_space<hbm>> -> memref<256x2048xf32, #tpu.memory_space<hbm>>
    tpu.enqueue_dma source(%arg3 : memref<256x2048xf32, #tpu.memory_space<vmem_shared>>) target(%dma_start3A_153 : memref<256x2048xf32, #tpu.memory_space<hbm>>) target_semaphore(%arg9 : memref<!tpu.dma_semaphore, #tpu.memory_space<semaphore_mem>>)
    %dma_wait3A_154 = arith.constant 0 : i32
    %dma_wait3A_155 = tpu.memref_slice %arg2[%add3A_139, %dma_wait3A_154] : memref<8192x2048xf32, #tpu.memory_space<hbm>> -> memref<256x2048xf32, #tpu.memory_space<hbm>>
    tpu.wait_dma2 semaphore(%arg11 : memref<!tpu.dma_semaphore, #tpu.memory_space<semaphore_mem>>) src(%arg5 : memref<256x2048xf32, #tpu.memory_space<vmem_shared>>) dst(%dma_wait3A_155 : memref<256x2048xf32, #tpu.memory_space<hbm>>)
    %add3A_156 = arith.constant 3584 : i32
    %add3A_157 = arith.addi %mul3A_0, %add3A_156 : i32
    %dma_start3A_158 = arith.constant 0 : i32
    %dma_start3A_159 = tpu.memref_slice %arg1[%add3A_157, %dma_start3A_158] : memref<8192x2048xf32, #tpu.memory_space<hbm>> -> memref<256x2048xf32, #tpu.memory_space<hbm>>
    tpu.enqueue_dma source(%dma_start3A_159 : memref<256x2048xf32, #tpu.memory_space<hbm>>) target(%arg5 : memref<256x2048xf32, #tpu.memory_space<vmem_shared>>) target_semaphore(%arg8 : memref<!tpu.dma_semaphore, #tpu.memory_space<semaphore_mem>>)
    %dma_wait3A_160 = arith.constant 0 : i32
    %dma_wait3A_161 = tpu.memref_slice %arg1[%add3A_145, %dma_wait3A_160] : memref<8192x2048xf32, #tpu.memory_space<hbm>> -> memref<256x2048xf32, #tpu.memory_space<hbm>>
    tpu.wait_dma2 semaphore(%arg7 : memref<!tpu.dma_semaphore, #tpu.memory_space<semaphore_mem>>) src(%dma_wait3A_161 : memref<256x2048xf32, #tpu.memory_space<hbm>>) dst(%arg4 : memref<256x2048xf32, #tpu.memory_space<vmem_shared>>)
    %add3A_162 = arith.constant 3328 : i32
    %add3A_163 = arith.addi %mul3A_0, %add3A_162 : i32
    %dma_start3A_164 = arith.constant 0 : i32
    %dma_start3A_165 = tpu.memref_slice %arg2[%add3A_163, %dma_start3A_164] : memref<8192x2048xf32, #tpu.memory_space<hbm>> -> memref<256x2048xf32, #tpu.memory_space<hbm>>
    tpu.enqueue_dma source(%arg4 : memref<256x2048xf32, #tpu.memory_space<vmem_shared>>) target(%dma_start3A_165 : memref<256x2048xf32, #tpu.memory_space<hbm>>) target_semaphore(%arg10 : memref<!tpu.dma_semaphore, #tpu.memory_space<semaphore_mem>>)
    %dma_wait3A_166 = arith.constant 0 : i32
    %dma_wait3A_167 = tpu.memref_slice %arg2[%add3A_151, %dma_wait3A_166] : memref<8192x2048xf32, #tpu.memory_space<hbm>> -> memref<256x2048xf32, #tpu.memory_space<hbm>>
    tpu.wait_dma2 semaphore(%arg9 : memref<!tpu.dma_semaphore, #tpu.memory_space<semaphore_mem>>) src(%arg3 : memref<256x2048xf32, #tpu.memory_space<vmem_shared>>) dst(%dma_wait3A_167 : memref<256x2048xf32, #tpu.memory_space<hbm>>)
    %add3A_168 = arith.constant 3840 : i32
    %add3A_169 = arith.addi %mul3A_0, %add3A_168 : i32
    %dma_start3A_170 = arith.constant 0 : i32
    %dma_start3A_171 = tpu.memref_slice %arg1[%add3A_169, %dma_start3A_170] : memref<8192x2048xf32, #tpu.memory_space<hbm>> -> memref<256x2048xf32, #tpu.memory_space<hbm>>
    tpu.enqueue_dma source(%dma_start3A_171 : memref<256x2048xf32, #tpu.memory_space<hbm>>) target(%arg3 : memref<256x2048xf32, #tpu.memory_space<vmem_shared>>) target_semaphore(%arg6 : memref<!tpu.dma_semaphore, #tpu.memory_space<semaphore_mem>>)
    %dma_wait3A_172 = arith.constant 0 : i32
    %dma_wait3A_173 = tpu.memref_slice %arg1[%add3A_157, %dma_wait3A_172] : memref<8192x2048xf32, #tpu.memory_space<hbm>> -> memref<256x2048xf32, #tpu.memory_space<hbm>>
    tpu.wait_dma2 semaphore(%arg8 : memref<!tpu.dma_semaphore, #tpu.memory_space<semaphore_mem>>) src(%dma_wait3A_173 : memref<256x2048xf32, #tpu.memory_space<hbm>>) dst(%arg5 : memref<256x2048xf32, #tpu.memory_space<vmem_shared>>)
    %add3A_174 = arith.constant 3584 : i32
    %add3A_175 = arith.addi %mul3A_0, %add3A_174 : i32
    %dma_start3A_176 = arith.constant 0 : i32
    %dma_start3A_177 = tpu.memref_slice %arg2[%add3A_175, %dma_start3A_176] : memref<8192x2048xf32, #tpu.memory_space<hbm>> -> memref<256x2048xf32, #tpu.memory_space<hbm>>
    tpu.enqueue_dma source(%arg5 : memref<256x2048xf32, #tpu.memory_space<vmem_shared>>) target(%dma_start3A_177 : memref<256x2048xf32, #tpu.memory_space<hbm>>) target_semaphore(%arg11 : memref<!tpu.dma_semaphore, #tpu.memory_space<semaphore_mem>>)
    %dma_wait3A_178 = arith.constant 0 : i32
    %dma_wait3A_179 = tpu.memref_slice %arg1[%add3A_169, %dma_wait3A_178] : memref<8192x2048xf32, #tpu.memory_space<hbm>> -> memref<256x2048xf32, #tpu.memory_space<hbm>>
    tpu.wait_dma2 semaphore(%arg6 : memref<!tpu.dma_semaphore, #tpu.memory_space<semaphore_mem>>) src(%dma_wait3A_179 : memref<256x2048xf32, #tpu.memory_space<hbm>>) dst(%arg3 : memref<256x2048xf32, #tpu.memory_space<vmem_shared>>)
    %add3A_180 = arith.constant 3840 : i32
    %add3A_181 = arith.addi %mul3A_0, %add3A_180 : i32
    %dma_start3A_182 = arith.constant 0 : i32
    %dma_start3A_183 = tpu.memref_slice %arg2[%add3A_181, %dma_start3A_182] : memref<8192x2048xf32, #tpu.memory_space<hbm>> -> memref<256x2048xf32, #tpu.memory_space<hbm>>
    tpu.enqueue_dma source(%arg3 : memref<256x2048xf32, #tpu.memory_space<vmem_shared>>) target(%dma_start3A_183 : memref<256x2048xf32, #tpu.memory_space<hbm>>) target_semaphore(%arg9 : memref<!tpu.dma_semaphore, #tpu.memory_space<semaphore_mem>>)
    %dma_wait3A_184 = arith.constant 0 : i32
    %dma_wait3A_185 = tpu.memref_slice %arg2[%add3A_181, %dma_wait3A_184] : memref<8192x2048xf32, #tpu.memory_space<hbm>> -> memref<256x2048xf32, #tpu.memory_space<hbm>>
    tpu.wait_dma2 semaphore(%arg9 : memref<!tpu.dma_semaphore, #tpu.memory_space<semaphore_mem>>) src(%arg3 : memref<256x2048xf32, #tpu.memory_space<vmem_shared>>) dst(%dma_wait3A_185 : memref<256x2048xf32, #tpu.memory_space<hbm>>)
    %dma_wait3A_186 = arith.constant 0 : i32
    %dma_wait3A_187 = tpu.memref_slice %arg2[%add3A_163, %dma_wait3A_186] : memref<8192x2048xf32, #tpu.memory_space<hbm>> -> memref<256x2048xf32, #tpu.memory_space<hbm>>
    tpu.wait_dma2 semaphore(%arg10 : memref<!tpu.dma_semaphore, #tpu.memory_space<semaphore_mem>>) src(%arg4 : memref<256x2048xf32, #tpu.memory_space<vmem_shared>>) dst(%dma_wait3A_187 : memref<256x2048xf32, #tpu.memory_space<hbm>>)
    %dma_wait3A_188 = arith.constant 0 : i32
    %dma_wait3A_189 = tpu.memref_slice %arg2[%add3A_175, %dma_wait3A_188] : memref<8192x2048xf32, #tpu.memory_space<hbm>> -> memref<256x2048xf32, #tpu.memory_space<hbm>>
    tpu.wait_dma2 semaphore(%arg11 : memref<!tpu.dma_semaphore, #tpu.memory_space<semaphore_mem>>) src(%arg5 : memref<256x2048xf32, #tpu.memory_space<vmem_shared>>) dst(%dma_wait3A_189 : memref<256x2048xf32, #tpu.memory_space<hbm>>)
    return
  }
}

</mosaic_0001>

<sc_bundles>
// kernel: kernel.3.cloned.1.call-start
scs
__scs_entry_jumppad:
0x0: {  	(pc) =	sbr.rel $0x88, $3  }
0x1: {  	(tag) =	ssettag $0x0;
	lr =	simm.s32 $0x1  }
0x2: {  	[smem:$0x3FA0] =	sst lr;
	_ =	strace $0xD0000000  }
0x3: {  	_ = 	snop  }
0x4: {  	_ = 	snop  }
0x5: {  	_ = 	snop  }
0x6: {  	_ = 	snop  }
0x7: {  	_ = 	snop  }
__scs_overlays_trampoline_lowered:
0x8: {  	[smem:$0x3FAF] =	sst s0  }
0x9: {  	[smem:$0x3FB0] =	sst s1  }
0xa: {  	[smem:$0x3FB1] =	sst s2  }
0xb: {  	[smem:$0x3FB2] =	sst s3  }
0xc: {  	[smem:$0x3FB3] =	sst s4  }
0xd: {  	[smem:$0x3FB4] =	sst s5  }
0xe: {  	[smem:$0x3FB5] =	sst s6  }
0xf: {  	[smem:$0x3FB6] =	sst s7  }
0x10: {  	[smem:$0x3FB7] =	sst s8  }
0x11: {  	[smem:$0x3FB8] =	sst s9;
	s0 =	simm.s32 @!p0 $0x0  }
0x12: {  	s1 =	sld [smem:$0x3F9E];
	s0 =	simm.s32 @p0 $0x1  }
0x13: {  	[smem:$0x3FB9] =	sst s0;
	s0 =	simm.s32 @!p1 $0x0  }
0x14: {  	s2 =	sld [smem:$0x3F9D];
	s0 =	simm.s32 @p1 $0x1  }
0x15: {  	[smem:$0x3FBA] =	sst s0;
	s0 =	simm.s32 @!p2 $0x0  }
0x16: {  	s3 =	sld [smem:$0x3FDB];
	s0 =	simm.s32 @p2 $0x1  }
0x17: {  	s4 =	simm.s32 $0x1BF5;
	[smem:$0x3FBC] =	sst s0  }
0x18: {  	s0 =	sld [smem:$0x3F9F];
	_ =	swait.ge [sflag:s4], $0x0  }
0x19: {  	s7 =	sld [smem:$0x3FA0]  }
0x1a: {  	s8 =	sadd.s32 $0xFFFFE003, lr  }
0x1b: {  	s9 =	sadd.s32 $0xFFFFFEF7, lr;
	s5 =	simm.s32 $0xFFFFFFFF;
	p2 =	slt.u32 s8, $0xFFFFF086  }
0x1c: {  	p1 =	slt.u32 s9, $0xF7A;
	s5 =	simm.s32 @!p2 $0x0  }
0x1d: {  	s5 =	simm.s32 @p1 $0x1;
	p0 =	seq.s32 s7, s2  }
0x1e: {  	s7 =	smul.u32 @!p0 $0xF7A, s2;
	p2 =	seq.s32 @!p0 s5, $0x0  }
0x1f: {  	s9 =	smul.u32 $0xF7A, s1;
	s8 =	simm.s32 @!p0 $0x1BF5;
	p2 =	por !p2, p0  }
0x20: {  	[sflag:s8] =	ssyncset.s32 @!p0 $0xFFFFF086;
	s6 =	sadd.s32 @!p0 s3, s7;
	s7 =	simm.s32 @!p0 $0x108  }
0x21: {  	s3 =	sadd.s32 s3, s9;
	s6 =	sadd.s32 @!p0 $0x88, s6;
	s7 =	simm.s32 @p2 $0x1082  }
0x22: {  	[simem:s7], [sflag:s8] =	dma.local @!p0 [hbm:s6], $0xF7A  }
0x23: {  	s9 =	sor.u32 $0xD0000000, s2;
	s6 =	simm.s32 $0x108;
	_ =	swait.ge @!p0 [sflag:s8], $0x0  }
0x24: {  	s3 =	sadd.s32 $0x88, s3;
	s6 =	simm.s32 @!p1 $0x1082;
	[sflag:s4] =	ssyncset.s32 $0xFFFFF086  }
0x25: {  	[simem:s6], [sflag:s4] =	dma.local [hbm:s3], $0xF7A  }
0x26: {  	[smem:$0x3FA0] =	sst s1;
	(tag) =	ssettag s2;
	_ =	strace s9  }
0x27: {  	s1 =	sld [smem:$0x3FB0]  }
0x28: {  	s2 =	sld [smem:$0x3FB1]  }
0x29: {  	s4 =	sld [smem:$0x3FB3]  }
0x2a: {  	p0 =	seq.s32 s5, $0x0;
	s5 =	sld [smem:$0x3FB4]  }
0x2b: {  	s6 =	sld [smem:$0x3FB5]  }
0x2c: {  	s7 =	sld [smem:$0x3FB6]  }
0x2d: {  	s3 =	simm.s32 $0x108;
	s8 =	sld [smem:$0x3FB7]  }
0x2e: {  	s3 =	simm.s32 @!p0 $0x1082;
	s9 =	sld [smem:$0x3FB8]  }
0x2f: {  	lr =	sadd.s32 s0, s3;
	s0 =	sld [smem:$0x3FAF]  }
0x30: {  	s3 =	sld [smem:$0x3FB2]  }
0x31: {  	[smem:$0x3FBB] =	sst s10  }
0x32: {  	s10 =	sld [smem:$0x3FB9];
	_ =	sdelay $0x3  }
0x33: {  	p0 =	seq.s32 s10, $0x1;
	s10 =	sld [smem:$0x3FBB];
	_ =	sdelay $0x3  }
0x34: {  	[smem:$0x3FBB] =	sst s10  }
0x35: {  	s10 =	sld [smem:$0x3FBA];
	_ =	sdelay $0x3  }
0x36: {  	p1 =	seq.s32 s10, $0x1;
	s10 =	sld [smem:$0x3FBB];
	_ =	sdelay $0x3  }
0x37: {  	[smem:$0x3FBB] =	sst s10  }
0x38: {  	s10 =	sld [smem:$0x3FBC]  }
0x39: {  	_ = 	snop;
	(pc) =	sbr.ind lr, $3  }
0x3a: {  	_ = 	snop  }
0x3b: {  	_ = 	snop  }
0x3c: {  	p2 =	seq.s32 s10, $0x1;
	s10 =	sld [smem:$0x3FBB]  }
0x3d: {  	_ =	shalt  }
0x3e: {  	_ =	shalt  }
0x3f: {  	_ =	shalt  }
0x40: {  	_ =	shalt  }
0x41: {  	_ =	shalt  }
0x42: {  	_ =	shalt  }
0x43: {  	_ =	shalt  }
0x44: {  	_ =	shalt  }
0x45: {  	_ =	shalt  }
0x46: {  	_ =	shalt  }
0x47: {  	_ =	shalt  }
0x48: {  	_ =	shalt  }
0x49: {  	_ =	shalt  }
0x4a: {  	_ =	shalt  }
0x4b: {  	_ =	shalt  }
0x4c: {  	_ =	shalt  }
0x4d: {  	_ =	shalt  }
0x4e: {  	_ =	shalt  }
0x4f: {  	_ =	shalt  }
0x50: {  	_ =	shalt  }
0x51: {  	_ =	shalt  }
0x52: {  	_ =	shalt  }
0x53: {  	_ =	shalt  }
0x54: {  	_ =	shalt  }
0x55: {  	_ =	shalt  }
0x56: {  	_ =	shalt  }
0x57: {  	_ =	shalt  }
0x58: {  	_ =	shalt  }
0x59: {  	_ =	shalt  }
0x5a: {  	_ =	shalt  }
0x5b: {  	_ =	shalt  }
0x5c: {  	_ =	shalt  }
0x5d: {  	_ =	shalt  }
0x5e: {  	_ =	shalt  }
0x5f: {  	_ =	shalt  }
0x60: {  	_ =	shalt  }
0x61: {  	_ =	shalt  }
0x62: {  	_ =	shalt  }
0x63: {  	_ =	shalt  }
0x64: {  	_ =	shalt  }
0x65: {  	_ =	shalt  }
0x66: {  	_ =	shalt  }
0x67: {  	_ =	shalt  }
0x68: {  	_ =	shalt  }
0x69: {  	_ =	shalt  }
0x6a: {  	_ =	shalt  }
0x6b: {  	_ =	shalt  }
0x6c: {  	_ =	shalt  }
0x6d: {  	_ =	shalt  }
0x6e: {  	_ =	shalt  }
0x6f: {  	_ =	shalt  }
0x70: {  	_ =	shalt  }
0x71: {  	_ =	shalt  }
0x72: {  	_ =	shalt  }
0x73: {  	_ =	shalt  }
0x74: {  	_ =	shalt  }
0x75: {  	_ =	shalt  }
0x76: {  	_ =	shalt  }
0x77: {  	_ =	shalt  }
0x78: {  	_ =	shalt  }
0x79: {  	_ =	shalt  }
0x7a: {  	_ =	shalt  }
0x7b: {  	_ =	shalt  }
0x7c: {  	_ =	shalt  }
0x7d: {  	_ =	shalt  }
0x7e: {  	_ =	shalt  }
0x7f: {  	_ =	shalt  }
0x80: {  	_ =	shalt  }
0x81: {  	_ =	shalt  }
0x82: {  	_ =	shalt  }
0x83: {  	_ =	shalt  }
0x84: {  	_ =	shalt  }
0x85: {  	_ =	shalt  }
0x86: {  	_ =	shalt  }
0x87: {  	_ =	shalt  }
.Lfunc_end0:
.L_simem_size_0:
called_computation_lowered:
.L_overlay_start_0:
0x88: {  	s2 =	sld [smem:$0x3FD9]  }
0x89: {  	s3 =	sld [smem:$0x3FFE];
	_ =	sdelay $0x1  }
0x8a: {  	s1 =	srdreg.scid  }
0x8b: {  	s0 =	sand.u32 $0x1, s1  }
0x8c: {  	s13 =	sshll.u32 s0, $0xA;
	s2 =	sadd.s32 s3, s2  }
0x8d: {  	s2 =	sadd.s32 s2, s13  }
0x8e: {  	s3 =	simm.s32 $0x0;
	[smem:$0x3FC7] =	sst s2  }
0x8f: {  	[smem:$0xF] =	sst s3  }
0x90: {  	s4 =	sld [smem:$0x3FC9]  }
0x91: {  	s2 =	sld [smem:$0x3FD0];
	(tm) =	ssettm $0x1  }
0x92: {  	s5 =	sld [smem:$0x3FFB];
	_ =	sdelay $0x3  }
0x93: {  	_ =	strace s5  }
0x94: {  	s5 =	sld [smem:$0x3FFC];
	_ =	sdelay $0x3  }
0x95: {  	_ =	strace s5  }
0x96: {  	s5 =	sld [smem:$0x3FFD];
	_ =	sdelay $0x3  }
0x97: {  	_ =	strace s5  }
0x98: {  	s14 =	simm.s32 $0x1B8B;
	_ =	strace $0x8FFFFFFF  }
0x99: {  	_ =	swait.ge [sflag:s14], $0x1  }
0x9a: {  	s15 =	simm.s32 $0x1B8E;
	s11 =	simm.s32 $0xA;
	[sflag:s14] =	ssyncset.done $0x0  }
0x9b: {  	s9 =	simm.s32 $0x10000;
	s7 =	sshll.u32 s0, $0x14;
	[sflag:s14] =	ssyncadd.s32 $0xFFFFFFFF  }
0x9c: {  	s8 =	sor.u32 $0x10000, s7;
	s6 =	sadd.s32 s7, s4;
	[smem:$0x3FD2] =	sst s15  }
0x9d: {  	s16 =	sadd.s32 s8, s4;
	s5 =	simm.s32 $0x9;
	_ =	strace $0x80000046  }
0x9e: {  	[spmem:s3], [sflag:s5] =	dma.local [hbm:s6], $0x10000  }
0x9f: {  	[spmem:s9], [sflag:s11] =	dma.local [hbm:s16], $0x10000  }
0xa0: {  	_ =	swait.ge [sflag:s5], $0x10000  }
0xa1: {  	s13 =	sor.u32 $0x20000, s7;
	[sflag:s5] =	ssyncset.done $0x0  }
0xa2: {  	s10 =	sadd.s32 s7, s2;
	s6 =	simm.s32 $0xC;
	[sflag:s5] =	ssyncadd.s32 $0xFFFF0000  }
0xa3: {  	[hbm:s10], [sflag:s6] =	dma.local [spmem:s3], $0x10000  }
0xa4: {  	s12 =	simm.s32 $0xB;
	s14 =	sadd.s32 s13, s4;
	s10 =	simm.s32 $0x20000  }
0xa5: {  	[spmem:s10], [sflag:s12] =	dma.local [hbm:s14], $0x10000  }
0xa6: {  	_ =	swait.ge [sflag:s11], $0x10000  }
0xa7: {  	[sflag:s11] =	ssyncset.done $0x0  }
0xa8: {  	[sflag:s11] =	ssyncadd.s32 $0xFFFF0000  }
0xa9: {  	s17 =	sadd.s32 s8, s2;
	s8 =	simm.s32 $0xD  }
0xaa: {  	[hbm:s17], [sflag:s8] =	dma.local [spmem:s9], $0x10000  }
0xab: {  	_ =	swait.ge [sflag:s6], $0x10000  }
0xac: {  	[sflag:s6] =	ssyncset.done $0x0  }
0xad: {  	s18 =	sor.u32 $0x30000, s7;
	[sflag:s6] =	ssyncadd.s32 $0xFFFF0000  }
0xae: {  	s15 =	sadd.s32 s18, s4  }
0xaf: {  	[spmem:s3], [sflag:s5] =	dma.local [hbm:s15], $0x10000  }
0xb0: {  	_ =	swait.ge [sflag:s12], $0x10000  }
0xb1: {  	[sflag:s12] =	ssyncset.done $0x0  }
0xb2: {  	[sflag:s12] =	ssyncadd.s32 $0xFFFF0000  }
0xb3: {  	s19 =	sadd.s32 s13, s2;
	s13 =	simm.s32 $0xE  }
0xb4: {  	[hbm:s19], [sflag:s13] =	dma.local [spmem:s10], $0x10000  }
0xb5: {  	_ =	swait.ge [sflag:s8], $0x10000  }
0xb6: {  	[sflag:s8] =	ssyncset.done $0x0  }
0xb7: {  	s20 =	sor.u32 $0x40000, s7;
	[sflag:s8] =	ssyncadd.s32 $0xFFFF0000  }
0xb8: {  	s16 =	sadd.s32 s20, s4  }
0xb9: {  	[spmem:s9], [sflag:s11] =	dma.local [hbm:s16], $0x10000  }
0xba: {  	_ =	swait.ge [sflag:s5], $0x10000  }
0xbb: {  	[sflag:s5] =	ssyncset.done $0x0  }
0xbc: {  	[sflag:s5] =	ssyncadd.s32 $0xFFFF0000  }
0xbd: {  	s14 =	sadd.s32 s18, s2  }
0xbe: {  	[hbm:s14], [sflag:s6] =	dma.local [spmem:s3], $0x10000  }
0xbf: {  	_ =	swait.ge [sflag:s13], $0x10000  }
0xc0: {  	[sflag:s13] =	ssyncset.done $0x0  }
0xc1: {  	s21 =	sor.u32 $0x50000, s7;
	[sflag:s13] =	ssyncadd.s32 $0xFFFF0000  }
0xc2: {  	s22 =	sadd.s32 s21, s4  }
0xc3: {  	[spmem:s10], [sflag:s12] =	dma.local [hbm:s22], $0x10000  }
0xc4: {  	_ =	swait.ge [sflag:s11], $0x10000  }
0xc5: {  	[sflag:s11] =	ssyncset.done $0x0  }
0xc6: {  	[sflag:s11] =	ssyncadd.s32 $0xFFFF0000  }
0xc7: {  	s15 =	sadd.s32 s20, s2  }
0xc8: {  	[hbm:s15], [sflag:s8] =	dma.local [spmem:s9], $0x10000  }
0xc9: {  	_ =	swait.ge [sflag:s6], $0x10000  }
0xca: {  	[sflag:s6] =	ssyncset.done $0x0  }
0xcb: {  	s23 =	sor.u32 $0x60000, s7;
	[sflag:s6] =	ssyncadd.s32 $0xFFFF0000  }
0xcc: {  	s24 =	sadd.s32 s23, s4  }
0xcd: {  	[spmem:s3], [sflag:s5] =	dma.local [hbm:s24], $0x10000  }
0xce: {  	_ =	swait.ge [sflag:s12], $0x10000  }
0xcf: {  	[sflag:s12] =	ssyncset.done $0x0  }
0xd0: {  	[sflag:s12] =	ssyncadd.s32 $0xFFFF0000  }
0xd1: {  	s14 =	sadd.s32 s21, s2  }
0xd2: {  	[hbm:s14], [sflag:s13] =	dma.local [spmem:s10], $0x10000  }
0xd3: {  	_ =	swait.ge [sflag:s8], $0x10000  }
0xd4: {  	[sflag:s8] =	ssyncset.done $0x0  }
0xd5: {  	s25 =	sor.u32 $0x70000, s7;
	[sflag:s8] =	ssyncadd.s32 $0xFFFF0000  }
0xd6: {  	s26 =	sadd.s32 s25, s4  }
0xd7: {  	[spmem:s9], [sflag:s11] =	dma.local [hbm:s26], $0x10000  }
0xd8: {  	_ =	swait.ge [sflag:s5], $0x10000  }
0xd9: {  	[sflag:s5] =	ssyncset.done $0x0  }
0xda: {  	[sflag:s5] =	ssyncadd.s32 $0xFFFF0000  }
0xdb: {  	s15 =	sadd.s32 s23, s2  }
0xdc: {  	[hbm:s15], [sflag:s6] =	dma.local [spmem:s3], $0x10000  }
0xdd: {  	_ =	swait.ge [sflag:s13], $0x10000  }
0xde: {  	[sflag:s13] =	ssyncset.done $0x0  }
0xdf: {  	s28 =	sor.u32 $0x80000, s7;
	[sflag:s13] =	ssyncadd.s32 $0xFFFF0000  }
0xe0: {  	s29 =	sadd.s32 s28, s4  }
0xe1: {  	[spmem:s10], [sflag:s12] =	dma.local [hbm:s29], $0x10000  }
0xe2: {  	_ =	swait.ge [sflag:s11], $0x10000  }
0xe3: {  	[sflag:s11] =	ssyncset.done $0x0  }
0xe4: {  	[sflag:s11] =	ssyncadd.s32 $0xFFFF0000  }
0xe5: {  	s14 =	sadd.s32 s25, s2  }
0xe6: {  	[hbm:s14], [sflag:s8] =	dma.local [spmem:s9], $0x10000  }
0xe7: {  	_ =	swait.ge [sflag:s6], $0x10000  }
0xe8: {  	[sflag:s6] =	ssyncset.done $0x0  }
0xe9: {  	s30 =	sor.u32 $0x90000, s7;
	[sflag:s6] =	ssyncadd.s32 $0xFFFF0000  }
0xea: {  	s31 =	sadd.s32 s30, s4  }
0xeb: {  	[spmem:s3], [sflag:s5] =	dma.local [hbm:s31], $0x10000  }
0xec: {  	_ =	swait.ge [sflag:s12], $0x10000  }
0xed: {  	[sflag:s12] =	ssyncset.done $0x0  }
0xee: {  	[sflag:s12] =	ssyncadd.s32 $0xFFFF0000  }
0xef: {  	s15 =	sadd.s32 s28, s2  }
0xf0: {  	[hbm:s15], [sflag:s13] =	dma.local [spmem:s10], $0x10000  }
0xf1: {  	_ =	swait.ge [sflag:s8], $0x10000  }
0xf2: {  	[sflag:s8] =	ssyncset.done $0x0  }
0xf3: {  	s17 =	sor.u32 $0xA0000, s7;
	[sflag:s8] =	ssyncadd.s32 $0xFFFF0000  }
0xf4: {  	s18 =	sadd.s32 s17, s4  }
0xf5: {  	[spmem:s9], [sflag:s11] =	dma.local [hbm:s18], $0x10000  }
0xf6: {  	_ =	swait.ge [sflag:s5], $0x10000  }
0xf7: {  	[sflag:s5] =	ssyncset.done $0x0  }
0xf8: {  	[sflag:s5] =	ssyncadd.s32 $0xFFFF0000  }
0xf9: {  	s14 =	sadd.s32 s30, s2  }
0xfa: {  	[hbm:s14], [sflag:s6] =	dma.local [spmem:s3], $0x10000  }
0xfb: {  	_ =	swait.ge [sflag:s13], $0x10000  }
0xfc: {  	[sflag:s13] =	ssyncset.done $0x0  }
0xfd: {  	s19 =	sor.u32 $0xB0000, s7;
	[sflag:s13] =	ssyncadd.s32 $0xFFFF0000  }
0xfe: {  	s20 =	sadd.s32 s19, s4  }
0xff: {  	[spmem:s10], [sflag:s12] =	dma.local [hbm:s20], $0x10000  }
0x100: {  	_ =	swait.ge [sflag:s11], $0x10000  }
0x101: {  	[sflag:s11] =	ssyncset.done $0x0  }
0x102: {  	[sflag:s11] =	ssyncadd.s32 $0xFFFF0000  }
0x103: {  	s15 =	sadd.s32 s17, s2  }
0x104: {  	[hbm:s15], [sflag:s8] =	dma.local [spmem:s9], $0x10000  }
0x105: {  	_ =	swait.ge [sflag:s6], $0x10000  }
0x106: {  	[sflag:s6] =	ssyncset.done $0x0  }
0x107: {  	s21 =	sor.u32 $0xC0000, s7;
	[sflag:s6] =	ssyncadd.s32 $0xFFFF0000  }
0x108: {  	s22 =	sadd.s32 s21, s4  }
0x109: {  	[spmem:s3], [sflag:s5] =	dma.local [hbm:s22], $0x10000  }
0x10a: {  	_ =	swait.ge [sflag:s12], $0x10000  }
0x10b: {  	[sflag:s12] =	ssyncset.done $0x0  }
0x10c: {  	[sflag:s12] =	ssyncadd.s32 $0xFFFF0000  }
0x10d: {  	s14 =	sadd.s32 s19, s2  }
0x10e: {  	[hbm:s14], [sflag:s13] =	dma.local [spmem:s10], $0x10000  }
0x10f: {  	_ =	swait.ge [sflag:s8], $0x10000  }
0x110: {  	[sflag:s8] =	ssyncset.done $0x0  }
0x111: {  	s23 =	sor.u32 $0xD0000, s7;
	[sflag:s8] =	ssyncadd.s32 $0xFFFF0000  }
0x112: {  	s24 =	sadd.s32 s23, s4  }
0x113: {  	[spmem:s9], [sflag:s11] =	dma.local [hbm:s24], $0x10000  }
0x114: {  	_ =	swait.ge [sflag:s5], $0x10000  }
0x115: {  	[sflag:s5] =	ssyncset.done $0x0  }
0x116: {  	[sflag:s5] =	ssyncadd.s32 $0xFFFF0000  }
0x117: {  	s15 =	sadd.s32 s21, s2  }
0x118: {  	[hbm:s15], [sflag:s6] =	dma.local [spmem:s3], $0x10000  }
0x119: {  	_ =	swait.ge [sflag:s13], $0x10000  }
0x11a: {  	[sflag:s13] =	ssyncset.done $0x0  }
0x11b: {  	s25 =	sor.u32 $0xE0000, s7;
	[sflag:s13] =	ssyncadd.s32 $0xFFFF0000  }
0x11c: {  	s26 =	sadd.s32 s25, s4  }
0x11d: {  	[spmem:s10], [sflag:s12] =	dma.local [hbm:s26], $0x10000  }
0x11e: {  	_ =	swait.ge [sflag:s11], $0x10000  }
0x11f: {  	[sflag:s11] =	ssyncset.done $0x0  }
0x120: {  	[sflag:s11] =	ssyncadd.s32 $0xFFFF0000  }
0x121: {  	s28 =	sadd.s32 s23, s2  }
0x122: {  	[hbm:s28], [sflag:s8] =	dma.local [spmem:s9], $0x10000  }
0x123: {  	_ =	swait.ge [sflag:s6], $0x10000  }
0x124: {  	[sflag:s6] =	ssyncset.done $0x0  }
0x125: {  	s7 =	sor.u32 $0xF0000, s7;
	[sflag:s6] =	ssyncadd.s32 $0xFFFF0000  }
0x126: {  	s4 =	sadd.s32 s7, s4  }
0x127: {  	[spmem:s3], [sflag:s5] =	dma.local [hbm:s4], $0x10000  }
0x128: {  	_ =	swait.ge [sflag:s12], $0x10000  }
0x129: {  	[sflag:s12] =	ssyncset.done $0x0  }
0x12a: {  	[sflag:s12] =	ssyncadd.s32 $0xFFFF0000  }
0x12b: {  	s29 =	sadd.s32 s25, s2  }
0x12c: {  	[hbm:s29], [sflag:s13] =	dma.local [spmem:s10], $0x10000  }
0x12d: {  	_ =	swait.ge [sflag:s5], $0x10000  }
0x12e: {  	[sflag:s5] =	ssyncset.done $0x0  }
0x12f: {  	[sflag:s5] =	ssyncadd.s32 $0xFFFF0000  }
0x130: {  	s2 =	sadd.s32 s7, s2  }
0x131: {  	[hbm:s2], [sflag:s6] =	dma.local [spmem:s3], $0x10000  }
0x132: {  	_ =	swait.ge [sflag:s6], $0x10000  }
0x133: {  	[sflag:s6] =	ssyncset.done $0x0  }
0x134: {  	[sflag:s6] =	ssyncadd.s32 $0xFFFF0000;
	_ =	sdelay $0x2  }
0x135: {  	_ =	swait.ge [sflag:s8], $0x10000  }
0x136: {  	[sflag:s8] =	ssyncset.done $0x0  }
0x137: {  	[sflag:s8] =	ssyncadd.s32 $0xFFFF0000;
	_ =	sdelay $0x2  }
0x138: {  	_ =	swait.ge [sflag:s13], $0x10000  }
0x139: {  	[sflag:s13] =	ssyncset.done $0x0  }
0x13a: {  	[sflag:s13] =	ssyncadd.s32 $0xFFFF0000  }
0x13b: {  	_ =	strace $0x90000046  }
0x13c: {  	_ =	sfence  }
0x13d: {  	s30 =	sld [smem:$0x0];
	_ =	sdelay $0x2  }
0x13e: {  	s31 =	sshll.u32 s1, $0xD;
	s1 =	sshrl.u32 s1, $0x2  }
0x13f: {  	s3 =	sand.u32 $0x4000, s31;
	s1 =	sadd.s32 s1, s30  }
0x140: {  	s0 =	sor.u32 s3, s0;
	s1 =	sshll.u32 s1, $0x11  }
0x141: {  	s0 =	sor.u32 s1, s0  }
0x142: {  	s0 =	sadd.s32 $0x8F2B, s0;
	(pc) =	sbr.abs _section_cstart, $3  }
0x143: {  	[sflag:s0] =	ssyncadd.remote.s32 $0x1  }
0x144: {  	_ =	strace $0x9FFFFFFF  }
0x145: {  	(tm) =	ssettm $0x7FFFFFFF  }

</sc_bundles>
